<compile_context>
chip_gen: v7x
topology: tpu7x:2x2x1
jax: 0.10.2.dev20260603
libtpu: 0.0.44.dev20260713+nightly
codegen_flags: <defaults>
</compile_context>

<pallas_src>
import functools

import jax
import jax.numpy as jnp
from jax import lax
from jax.experimental import pallas as pl
from jax.experimental.pallas import tpu as pltpu
from jax.experimental.pallas import tpu_sc as plsc

VOCAB = 1000000
EMBED = 64
HIDDEN = 64
BATCH = 16384
_UBLK = 49152
_QTR = _UBLK // 4
_GRID1 = (VOCAB + _UBLK - 1) // _UBLK
_MROWS = _GRID1 * _QTR

_info = plsc.get_sparse_core_info()
_NC, _NS = _info.num_cores, _info.num_subcores
_NW = _NC * _NS
_BPW = BATCH // _NW
_CHUNK = 128
_NCHUNK = _BPW // _CHUNK

_sc_mesh = plsc.VectorSubcoreMesh(core_axis_name="c", subcore_axis_name="s")




def _mm_body(tabT_ref, w_ref, b_ref, out_ref):
    h = lax.dot_general(
        tabT_ref[...].astype(jnp.bfloat16), w_ref[...].astype(jnp.bfloat16),
        dimension_numbers=(((0,), (1,)), ((), ())),
        preferred_element_type=jnp.float32,
    )
    h = jnp.maximum(h + b_ref[...], 0.0)
    hu = lax.bitcast_convert_type(
        h.astype(jnp.bfloat16), jnp.uint16).astype(jnp.uint32)
    w0 = hu[:_QTR] | (hu[_QTR:2 * _QTR] << 16)
    w1 = hu[2 * _QTR:3 * _QTR] | (hu[3 * _QTR:] << 16)
    out_ref[...] = lax.bitcast_convert_type(
        jnp.concatenate([w0, w1], axis=1), jnp.float32)


def _tc_transform(tabT, W, b2):
    return pl.pallas_call(
        _mm_body,
        grid=(_GRID1,),
        in_specs=[
            pl.BlockSpec((EMBED, _UBLK), lambda i: (0, i)),
            pl.BlockSpec((HIDDEN, EMBED), lambda i: (0, 0)),
            pl.BlockSpec((1, HIDDEN), lambda i: (0, 0)),
        ],
        out_specs=pl.BlockSpec((_QTR, 2 * HIDDEN), lambda i: (i, 0)),
        out_shape=jax.ShapeDtypeStruct((_MROWS, 2 * HIDDEN), jnp.float32),
        compiler_params=pltpu.CompilerParams(vmem_limit_bytes=63 * 1024 * 1024),
    )(tabT, W, b2)



@functools.partial(
    pl.kernel,
    mesh=_sc_mesh,
    out_type=jax.ShapeDtypeStruct((_NW, _NCHUNK, _CHUNK, 2 * HIDDEN), jnp.float32),
    scratch_types=[
        pltpu.VMEM((_NCHUNK, _CHUNK), jnp.int32),
        pltpu.VMEM((_NCHUNK, _CHUNK, 2 * HIDDEN), jnp.float32),
        pltpu.SemaphoreType.DMA,
    ],
)
def _sc_gather(m_hbm, pidx_hbm, out_hbm, idx_v, rows_v, sem):
    wid = lax.axis_index("s") * _NC + lax.axis_index("c")
    pltpu.sync_copy(pidx_hbm.at[wid], idx_v)
    copies = [
        pltpu.async_copy(m_hbm.at[idx_v.at[j]], rows_v.at[j], sem)
        for j in range(_NCHUNK)
    ]
    for cp in copies:
        cp.wait()
    pltpu.sync_copy(rows_v, out_hbm.at[wid])



_SBLK = 2048


def _sel_body(slab_ref, sel_ref, out_ref):
    s32 = lax.bitcast_convert_type(slab_ref[...], jnp.uint32)
    sel = sel_ref[...]
    half = jnp.where(sel >= 2, s32[:, HIDDEN:], s32[:, :HIDDEN])
    sh = jnp.where(sel % 2 == 1, jnp.uint32(16), jnp.uint32(0))
    v16 = ((half >> sh) & jnp.uint32(0xFFFF)).astype(jnp.uint16)
    out_ref[...] = lax.bitcast_convert_type(
        v16, jnp.bfloat16).astype(jnp.float32)


def _tc_select(slab, sel):
    return pl.pallas_call(
        _sel_body,
        grid=(BATCH // _SBLK,),
        in_specs=[
            pl.BlockSpec((_SBLK, 2 * HIDDEN), lambda i: (i, 0)),
            pl.BlockSpec((_SBLK, 1), lambda i: (i, 0)),
        ],
        out_specs=pl.BlockSpec((_SBLK, HIDDEN), lambda i: (i, 0)),
        out_shape=jax.ShapeDtypeStruct((BATCH, HIDDEN), jnp.float32),
    )(slab, sel)


def kernel(user_id, table, W, b):
    uid = user_id.astype(jnp.int32)
    off = uid % _UBLK
    pidx = ((uid // _UBLK) * _QTR + off % _QTR).reshape(_NW, _NCHUNK, _CHUNK)
    sel = (off // _QTR).reshape(BATCH, 1)
    m = _tc_transform(table.T, W, b.reshape(1, HIDDEN))
    slab = _sc_gather(m, pidx).reshape(BATCH, 2 * HIDDEN)
    return _tc_select(slab, sel)

# --- scband reference (transcript-rebuilt; emitter-appended) ---
"""Pipeline reference for scband-user-embedder-44083544326676 (READ-ONLY COPY).

The authoritative reference and input builder live on the scoring server;
editing this copy changes nothing except your own understanding.
"""

import jax, jax.numpy as jnp
import numpy as np

VOCAB = 1000000
EMBED = 64
HIDDEN = 64
BATCH = 16384

def setup_inputs(seed: int = 0) -> dict:
    key = jax.random.key(seed)
    k_idx, k_tab, k_w, k_b = jax.random.split(key, 4)
    user_id = jax.random.randint(k_idx, (BATCH,), 0, VOCAB, dtype=jnp.int64 if jax.config.jax_enable_x64 else jnp.int32)
    table = jax.random.normal(k_tab, (VOCAB, EMBED), dtype=jnp.float32)
    # torch Linear weight shape: [hidden, embed]
    W = jax.random.normal(k_w, (HIDDEN, EMBED), dtype=jnp.float32) * (1.0 / np.sqrt(EMBED))
    b = jax.random.normal(k_b, (HIDDEN,), dtype=jnp.float32) * 0.01
    return {"user_id": user_id, "table": table, "W": W, "b": b}

def reference(user_id, table, W, b):
    emb = jnp.take(table, user_id, axis=0)          # [B, EMBED]  (nn.Embedding)
    h = emb @ W.T + b                                # nn.Linear
    return jax.nn.relu(h)                            # nn.ReLU

if __name__ == "__main__":
    import jax
    _d = setup_inputs()
    print(jax.jit(kernel)(*tuple(_d.values())))

</pallas_src>

<mosaic_0001>
#map = affine_map<(d0, d1) -> (0, 0)>
#map1 = affine_map<(d0, d1) -> (0, 0, 0)>
#map2 = affine_map<(d0, d1) -> (0, 0, 0, 0)>
module attributes {stable_mosaic.version = 14 : i64} {
  func.func @_sc_gather(%arg0: i32, %arg1: i32, %arg2: memref<258048x128xf32, #tpu.memory_space<hbm>>, %arg3: memref<32x4x128xi32, #tpu.memory_space<hbm>>, %arg4: memref<32x4x128x128xf32, #tpu.memory_space<hbm>>, %arg5: memref<4x128xi32, #tpu.memory_space<vmem>>, %arg6: memref<4x128x128xf32, #tpu.memory_space<vmem>>, %arg7: memref<!tpu.dma_semaphore, #tpu.memory_space<semaphore_mem>>) attributes {dimension_semantics = [#tpu.dimension_semantics<core_parallel>, #tpu.dimension_semantics<subcore_parallel>], iteration_bounds = array<i64: 2, 16>, scalar_prefetch = 0 : i64, scratch_operands = 3 : i64, tpu.core_type = #tpu.core_type<sc_vector_subcore>, window_params = [{transform_indices = #map}, {transform_indices = #map1}, {transform_indices = #map2}]} {
    %mul3A = arith.constant 2 : i32
    %mul3A_0 = arith.muli %arg1, %mul3A : i32
    %add3A = arith.addi %mul3A_0, %arg0 : i32
    "tpu.region"() ({
      %run_scoped3A = tpu.sem_alloc : memref<!tpu.dma_semaphore, #tpu.memory_space<semaphore_mem>>
      %dma_start3A_95 = arith.constant 0 : i32
      %dma_start3A_96 = arith.constant 0 : i32
      %dma_start3A_97 = tpu.memref_slice %arg3[%add3A, %dma_start3A_95, %dma_start3A_96] : memref<32x4x128xi32, #tpu.memory_space<hbm>> -> memref<1x4x128xi32, #tpu.memory_space<hbm>>
      %dma_start3A_98 = tpu.memref_squeeze %dma_start3A_97 : memref<1x4x128xi32, #tpu.memory_space<hbm>> -> memref<4x128xi32, #tpu.memory_space<hbm>>
      %dma_start3A_99 = arith.constant 0 : i32
      %dma_start3A_100 = arith.constant 0 : i32
      %dma_start3A_101 = tpu.memref_slice %arg3[%add3A, %dma_start3A_99, %dma_start3A_100] : memref<32x4x128xi32, #tpu.memory_space<hbm>> -> memref<1x4x128xi32, #tpu.memory_space<hbm>>
      %dma_start3A_102 = tpu.memref_squeeze %dma_start3A_101 : memref<1x4x128xi32, #tpu.memory_space<hbm>> -> memref<4x128xi32, #tpu.memory_space<hbm>>
      tpu.enqueue_dma source(%dma_start3A_102 : memref<4x128xi32, #tpu.memory_space<hbm>>) target(%arg5 : memref<4x128xi32, #tpu.memory_space<vmem>>) target_semaphore(%run_scoped3A : memref<!tpu.dma_semaphore, #tpu.memory_space<semaphore_mem>>)
      %dma_wait3A_103 = arith.constant 0 : i32
      %dma_wait3A_104 = arith.constant 0 : i32
      %dma_wait3A_105 = tpu.memref_slice %arg3[%add3A, %dma_wait3A_103, %dma_wait3A_104] : memref<32x4x128xi32, #tpu.memory_space<hbm>> -> memref<1x4x128xi32, #tpu.memory_space<hbm>>
      %dma_wait3A_106 = tpu.memref_squeeze %dma_wait3A_105 : memref<1x4x128xi32, #tpu.memory_space<hbm>> -> memref<4x128xi32, #tpu.memory_space<hbm>>
      %dma_wait3A_107 = arith.constant 0 : i32
      %dma_wait3A_108 = arith.constant 0 : i32
      %dma_wait3A_109 = tpu.memref_slice %arg3[%add3A, %dma_wait3A_107, %dma_wait3A_108] : memref<32x4x128xi32, #tpu.memory_space<hbm>> -> memref<1x4x128xi32, #tpu.memory_space<hbm>>
      %dma_wait3A_110 = tpu.memref_squeeze %dma_wait3A_109 : memref<1x4x128xi32, #tpu.memory_space<hbm>> -> memref<4x128xi32, #tpu.memory_space<hbm>>
      tpu.wait_dma2 semaphore(%run_scoped3A : memref<!tpu.dma_semaphore, #tpu.memory_space<semaphore_mem>>) src(%dma_wait3A_110 : memref<4x128xi32, #tpu.memory_space<hbm>>) dst(%arg5 : memref<4x128xi32, #tpu.memory_space<vmem>>)
      tpu.yield
    }) : () -> ()
    %dma_start3A = arith.constant 0 : i32
    %dma_start3A_1 = arith.constant 0 : i32
    %dma_start3A_2 = arith.constant 0 : i32
    %dma_start3A_3 = arith.constant 0 : i32
    %dma_start3A_4 = tpu.memref_slice %arg6[%dma_start3A_1, %dma_start3A_2, %dma_start3A_3] : memref<4x128x128xf32, #tpu.memory_space<vmem>> -> memref<1x128x128xf32, #tpu.memory_space<vmem>>
    %dma_start3A_5 = tpu.memref_squeeze %dma_start3A_4 : memref<1x128x128xf32, #tpu.memory_space<vmem>> -> memref<128x128xf32, #tpu.memory_space<vmem>>
    %dma_start3A_6 = arith.constant 0 : i32
    %dma_start3A_7 = tpu.memref_slice %arg5[%dma_start3A, %dma_start3A_6] : memref<4x128xi32, #tpu.memory_space<vmem>> -> memref<1x128xi32, #tpu.memory_space<vmem>>
    %dma_start3A_8 = tpu.memref_squeeze %dma_start3A_7 : memref<1x128xi32, #tpu.memory_space<vmem>> -> memref<128xi32, #tpu.memory_space<vmem>>
    %dma_start3A_9 = arith.constant 0 : i32
    %dma_start3A_10 = arith.constant 0 : i32
    %dma_start3A_11 = tpu.memref_slice %arg2[%dma_start3A_9, %dma_start3A_10] : memref<258048x128xf32, #tpu.memory_space<hbm>> -> memref<258048x128xf32, #tpu.memory_space<hbm>>
    tpu.enqueue_indirect_dma source(%dma_start3A_11 : memref<258048x128xf32, #tpu.memory_space<hbm>>) target(%dma_start3A_5 : memref<128x128xf32, #tpu.memory_space<vmem>>) offsets(%dma_start3A_8 : memref<128xi32, #tpu.memory_space<vmem>>) semaphore(%arg7 : memref<!tpu.dma_semaphore, #tpu.memory_space<semaphore_mem>>)
    %dma_start3A_12 = arith.constant 1 : i32
    %dma_start3A_13 = arith.constant 1 : i32
    %dma_start3A_14 = arith.constant 0 : i32
    %dma_start3A_15 = arith.constant 0 : i32
    %dma_start3A_16 = tpu.memref_slice %arg6[%dma_start3A_13, %dma_start3A_14, %dma_start3A_15] : memref<4x128x128xf32, #tpu.memory_space<vmem>> -> memref<1x128x128xf32, #tpu.memory_space<vmem>>
    %dma_start3A_17 = tpu.memref_squeeze %dma_start3A_16 : memref<1x128x128xf32, #tpu.memory_space<vmem>> -> memref<128x128xf32, #tpu.memory_space<vmem>>
    %dma_start3A_18 = arith.constant 0 : i32
    %dma_start3A_19 = tpu.memref_slice %arg5[%dma_start3A_12, %dma_start3A_18] : memref<4x128xi32, #tpu.memory_space<vmem>> -> memref<1x128xi32, #tpu.memory_space<vmem>>
    %dma_start3A_20 = tpu.memref_squeeze %dma_start3A_19 : memref<1x128xi32, #tpu.memory_space<vmem>> -> memref<128xi32, #tpu.memory_space<vmem>>
    %dma_start3A_21 = arith.constant 0 : i32
    %dma_start3A_22 = arith.constant 0 : i32
    %dma_start3A_23 = tpu.memref_slice %arg2[%dma_start3A_21, %dma_start3A_22] : memref<258048x128xf32, #tpu.memory_space<hbm>> -> memref<258048x128xf32, #tpu.memory_space<hbm>>
    tpu.enqueue_indirect_dma source(%dma_start3A_23 : memref<258048x128xf32, #tpu.memory_space<hbm>>) target(%dma_start3A_17 : memref<128x128xf32, #tpu.memory_space<vmem>>) offsets(%dma_start3A_20 : memref<128xi32, #tpu.memory_space<vmem>>) semaphore(%arg7 : memref<!tpu.dma_semaphore, #tpu.memory_space<semaphore_mem>>)
    %dma_start3A_24 = arith.constant 2 : i32
    %dma_start3A_25 = arith.constant 2 : i32
    %dma_start3A_26 = arith.constant 0 : i32
    %dma_start3A_27 = arith.constant 0 : i32
    %dma_start3A_28 = tpu.memref_slice %arg6[%dma_start3A_25, %dma_start3A_26, %dma_start3A_27] : memref<4x128x128xf32, #tpu.memory_space<vmem>> -> memref<1x128x128xf32, #tpu.memory_space<vmem>>
    %dma_start3A_29 = tpu.memref_squeeze %dma_start3A_28 : memref<1x128x128xf32, #tpu.memory_space<vmem>> -> memref<128x128xf32, #tpu.memory_space<vmem>>
    %dma_start3A_30 = arith.constant 0 : i32
    %dma_start3A_31 = tpu.memref_slice %arg5[%dma_start3A_24, %dma_start3A_30] : memref<4x128xi32, #tpu.memory_space<vmem>> -> memref<1x128xi32, #tpu.memory_space<vmem>>
    %dma_start3A_32 = tpu.memref_squeeze %dma_start3A_31 : memref<1x128xi32, #tpu.memory_space<vmem>> -> memref<128xi32, #tpu.memory_space<vmem>>
    %dma_start3A_33 = arith.constant 0 : i32
    %dma_start3A_34 = arith.constant 0 : i32
    %dma_start3A_35 = tpu.memref_slice %arg2[%dma_start3A_33, %dma_start3A_34] : memref<258048x128xf32, #tpu.memory_space<hbm>> -> memref<258048x128xf32, #tpu.memory_space<hbm>>
    tpu.enqueue_indirect_dma source(%dma_start3A_35 : memref<258048x128xf32, #tpu.memory_space<hbm>>) target(%dma_start3A_29 : memref<128x128xf32, #tpu.memory_space<vmem>>) offsets(%dma_start3A_32 : memref<128xi32, #tpu.memory_space<vmem>>) semaphore(%arg7 : memref<!tpu.dma_semaphore, #tpu.memory_space<semaphore_mem>>)
    %dma_start3A_36 = arith.constant 3 : i32
    %dma_start3A_37 = arith.constant 3 : i32
    %dma_start3A_38 = arith.constant 0 : i32
    %dma_start3A_39 = arith.constant 0 : i32
    %dma_start3A_40 = tpu.memref_slice %arg6[%dma_start3A_37, %dma_start3A_38, %dma_start3A_39] : memref<4x128x128xf32, #tpu.memory_space<vmem>> -> memref<1x128x128xf32, #tpu.memory_space<vmem>>
    %dma_start3A_41 = tpu.memref_squeeze %dma_start3A_40 : memref<1x128x128xf32, #tpu.memory_space<vmem>> -> memref<128x128xf32, #tpu.memory_space<vmem>>
    %dma_start3A_42 = arith.constant 0 : i32
    %dma_start3A_43 = tpu.memref_slice %arg5[%dma_start3A_36, %dma_start3A_42] : memref<4x128xi32, #tpu.memory_space<vmem>> -> memref<1x128xi32, #tpu.memory_space<vmem>>
    %dma_start3A_44 = tpu.memref_squeeze %dma_start3A_43 : memref<1x128xi32, #tpu.memory_space<vmem>> -> memref<128xi32, #tpu.memory_space<vmem>>
    %dma_start3A_45 = arith.constant 0 : i32
    %dma_start3A_46 = arith.constant 0 : i32
    %dma_start3A_47 = tpu.memref_slice %arg2[%dma_start3A_45, %dma_start3A_46] : memref<258048x128xf32, #tpu.memory_space<hbm>> -> memref<258048x128xf32, #tpu.memory_space<hbm>>
    tpu.enqueue_indirect_dma source(%dma_start3A_47 : memref<258048x128xf32, #tpu.memory_space<hbm>>) target(%dma_start3A_41 : memref<128x128xf32, #tpu.memory_space<vmem>>) offsets(%dma_start3A_44 : memref<128xi32, #tpu.memory_space<vmem>>) semaphore(%arg7 : memref<!tpu.dma_semaphore, #tpu.memory_space<semaphore_mem>>)
    %dma_wait3A = arith.constant 0 : i32
    %dma_wait3A_48 = arith.constant 0 : i32
    %dma_wait3A_49 = arith.constant 0 : i32
    %dma_wait3A_50 = arith.constant 0 : i32
    %dma_wait3A_51 = tpu.memref_slice %arg6[%dma_wait3A_48, %dma_wait3A_49, %dma_wait3A_50] : memref<4x128x128xf32, #tpu.memory_space<vmem>> -> memref<1x128x128xf32, #tpu.memory_space<vmem>>
    %dma_wait3A_52 = tpu.memref_squeeze %dma_wait3A_51 : memref<1x128x128xf32, #tpu.memory_space<vmem>> -> memref<128x128xf32, #tpu.memory_space<vmem>>
    %dma_wait3A_53 = arith.constant 0 : i32
    %dma_wait3A_54 = tpu.memref_slice %arg5[%dma_wait3A, %dma_wait3A_53] : memref<4x128xi32, #tpu.memory_space<vmem>> -> memref<1x128xi32, #tpu.memory_space<vmem>>
    %dma_wait3A_55 = tpu.memref_squeeze %dma_wait3A_54 : memref<1x128xi32, #tpu.memory_space<vmem>> -> memref<128xi32, #tpu.memory_space<vmem>>
    %dma_wait3A_56 = arith.constant 0 : i32
    %dma_wait3A_57 = arith.constant 0 : i32
    %dma_wait3A_58 = tpu.memref_slice %arg2[%dma_wait3A_56, %dma_wait3A_57] : memref<258048x128xf32, #tpu.memory_space<hbm>> -> memref<258048x128xf32, #tpu.memory_space<hbm>>
    tpu.wait_indirect_dma semaphore(%arg7 : memref<!tpu.dma_semaphore, #tpu.memory_space<semaphore_mem>>) src(%dma_wait3A_58 : memref<258048x128xf32, #tpu.memory_space<hbm>>) dst(%dma_wait3A_52 : memref<128x128xf32, #tpu.memory_space<vmem>>)
    %dma_wait3A_59 = arith.constant 1 : i32
    %dma_wait3A_60 = arith.constant 1 : i32
    %dma_wait3A_61 = arith.constant 0 : i32
    %dma_wait3A_62 = arith.constant 0 : i32
    %dma_wait3A_63 = tpu.memref_slice %arg6[%dma_wait3A_60, %dma_wait3A_61, %dma_wait3A_62] : memref<4x128x128xf32, #tpu.memory_space<vmem>> -> memref<1x128x128xf32, #tpu.memory_space<vmem>>
    %dma_wait3A_64 = tpu.memref_squeeze %dma_wait3A_63 : memref<1x128x128xf32, #tpu.memory_space<vmem>> -> memref<128x128xf32, #tpu.memory_space<vmem>>
    %dma_wait3A_65 = arith.constant 0 : i32
    %dma_wait3A_66 = tpu.memref_slice %arg5[%dma_wait3A_59, %dma_wait3A_65] : memref<4x128xi32, #tpu.memory_space<vmem>> -> memref<1x128xi32, #tpu.memory_space<vmem>>
    %dma_wait3A_67 = tpu.memref_squeeze %dma_wait3A_66 : memref<1x128xi32, #tpu.memory_space<vmem>> -> memref<128xi32, #tpu.memory_space<vmem>>
    %dma_wait3A_68 = arith.constant 0 : i32
    %dma_wait3A_69 = arith.constant 0 : i32
    %dma_wait3A_70 = tpu.memref_slice %arg2[%dma_wait3A_68, %dma_wait3A_69] : memref<258048x128xf32, #tpu.memory_space<hbm>> -> memref<258048x128xf32, #tpu.memory_space<hbm>>
    tpu.wait_indirect_dma semaphore(%arg7 : memref<!tpu.dma_semaphore, #tpu.memory_space<semaphore_mem>>) src(%dma_wait3A_70 : memref<258048x128xf32, #tpu.memory_space<hbm>>) dst(%dma_wait3A_64 : memref<128x128xf32, #tpu.memory_space<vmem>>)
    %dma_wait3A_71 = arith.constant 2 : i32
    %dma_wait3A_72 = arith.constant 2 : i32
    %dma_wait3A_73 = arith.constant 0 : i32
    %dma_wait3A_74 = arith.constant 0 : i32
    %dma_wait3A_75 = tpu.memref_slice %arg6[%dma_wait3A_72, %dma_wait3A_73, %dma_wait3A_74] : memref<4x128x128xf32, #tpu.memory_space<vmem>> -> memref<1x128x128xf32, #tpu.memory_space<vmem>>
    %dma_wait3A_76 = tpu.memref_squeeze %dma_wait3A_75 : memref<1x128x128xf32, #tpu.memory_space<vmem>> -> memref<128x128xf32, #tpu.memory_space<vmem>>
    %dma_wait3A_77 = arith.constant 0 : i32
    %dma_wait3A_78 = tpu.memref_slice %arg5[%dma_wait3A_71, %dma_wait3A_77] : memref<4x128xi32, #tpu.memory_space<vmem>> -> memref<1x128xi32, #tpu.memory_space<vmem>>
    %dma_wait3A_79 = tpu.memref_squeeze %dma_wait3A_78 : memref<1x128xi32, #tpu.memory_space<vmem>> -> memref<128xi32, #tpu.memory_space<vmem>>
    %dma_wait3A_80 = arith.constant 0 : i32
    %dma_wait3A_81 = arith.constant 0 : i32
    %dma_wait3A_82 = tpu.memref_slice %arg2[%dma_wait3A_80, %dma_wait3A_81] : memref<258048x128xf32, #tpu.memory_space<hbm>> -> memref<258048x128xf32, #tpu.memory_space<hbm>>
    tpu.wait_indirect_dma semaphore(%arg7 : memref<!tpu.dma_semaphore, #tpu.memory_space<semaphore_mem>>) src(%dma_wait3A_82 : memref<258048x128xf32, #tpu.memory_space<hbm>>) dst(%dma_wait3A_76 : memref<128x128xf32, #tpu.memory_space<vmem>>)
    %dma_wait3A_83 = arith.constant 3 : i32
    %dma_wait3A_84 = arith.constant 3 : i32
    %dma_wait3A_85 = arith.constant 0 : i32
    %dma_wait3A_86 = arith.constant 0 : i32
    %dma_wait3A_87 = tpu.memref_slice %arg6[%dma_wait3A_84, %dma_wait3A_85, %dma_wait3A_86] : memref<4x128x128xf32, #tpu.memory_space<vmem>> -> memref<1x128x128xf32, #tpu.memory_space<vmem>>
    %dma_wait3A_88 = tpu.memref_squeeze %dma_wait3A_87 : memref<1x128x128xf32, #tpu.memory_space<vmem>> -> memref<128x128xf32, #tpu.memory_space<vmem>>
    %dma_wait3A_89 = arith.constant 0 : i32
    %dma_wait3A_90 = tpu.memref_slice %arg5[%dma_wait3A_83, %dma_wait3A_89] : memref<4x128xi32, #tpu.memory_space<vmem>> -> memref<1x128xi32, #tpu.memory_space<vmem>>
    %dma_wait3A_91 = tpu.memref_squeeze %dma_wait3A_90 : memref<1x128xi32, #tpu.memory_space<vmem>> -> memref<128xi32, #tpu.memory_space<vmem>>
    %dma_wait3A_92 = arith.constant 0 : i32
    %dma_wait3A_93 = arith.constant 0 : i32
    %dma_wait3A_94 = tpu.memref_slice %arg2[%dma_wait3A_92, %dma_wait3A_93] : memref<258048x128xf32, #tpu.memory_space<hbm>> -> memref<258048x128xf32, #tpu.memory_space<hbm>>
    tpu.wait_indirect_dma semaphore(%arg7 : memref<!tpu.dma_semaphore, #tpu.memory_space<semaphore_mem>>) src(%dma_wait3A_94 : memref<258048x128xf32, #tpu.memory_space<hbm>>) dst(%dma_wait3A_88 : memref<128x128xf32, #tpu.memory_space<vmem>>)
    "tpu.region"() ({
      %run_scoped3A = tpu.sem_alloc : memref<!tpu.dma_semaphore, #tpu.memory_space<semaphore_mem>>
      %dma_start3A_95 = arith.constant 0 : i32
      %dma_start3A_96 = arith.constant 0 : i32
      %dma_start3A_97 = arith.constant 0 : i32
      %dma_start3A_98 = tpu.memref_slice %arg4[%add3A, %dma_start3A_95, %dma_start3A_96, %dma_start3A_97] : memref<32x4x128x128xf32, #tpu.memory_space<hbm>> -> memref<1x4x128x128xf32, #tpu.memory_space<hbm>>
      %dma_start3A_99 = tpu.memref_squeeze %dma_start3A_98 : memref<1x4x128x128xf32, #tpu.memory_space<hbm>> -> memref<4x128x128xf32, #tpu.memory_space<hbm>>
      %dma_start3A_100 = arith.constant 0 : i32
      %dma_start3A_101 = arith.constant 0 : i32
      %dma_start3A_102 = arith.constant 0 : i32
      %dma_start3A_103 = tpu.memref_slice %arg4[%add3A, %dma_start3A_100, %dma_start3A_101, %dma_start3A_102] : memref<32x4x128x128xf32, #tpu.memory_space<hbm>> -> memref<1x4x128x128xf32, #tpu.memory_space<hbm>>
      %dma_start3A_104 = tpu.memref_squeeze %dma_start3A_103 : memref<1x4x128x128xf32, #tpu.memory_space<hbm>> -> memref<4x128x128xf32, #tpu.memory_space<hbm>>
      tpu.enqueue_dma source(%arg6 : memref<4x128x128xf32, #tpu.memory_space<vmem>>) target(%dma_start3A_104 : memref<4x128x128xf32, #tpu.memory_space<hbm>>) target_semaphore(%run_scoped3A : memref<!tpu.dma_semaphore, #tpu.memory_space<semaphore_mem>>)
      %dma_wait3A_105 = arith.constant 0 : i32
      %dma_wait3A_106 = arith.constant 0 : i32
      %dma_wait3A_107 = arith.constant 0 : i32
      %dma_wait3A_108 = tpu.memref_slice %arg4[%add3A, %dma_wait3A_105, %dma_wait3A_106, %dma_wait3A_107] : memref<32x4x128x128xf32, #tpu.memory_space<hbm>> -> memref<1x4x128x128xf32, #tpu.memory_space<hbm>>
      %dma_wait3A_109 = tpu.memref_squeeze %dma_wait3A_108 : memref<1x4x128x128xf32, #tpu.memory_space<hbm>> -> memref<4x128x128xf32, #tpu.memory_space<hbm>>
      %dma_wait3A_110 = arith.constant 0 : i32
      %dma_wait3A_111 = arith.constant 0 : i32
      %dma_wait3A_112 = arith.constant 0 : i32
      %dma_wait3A_113 = tpu.memref_slice %arg4[%add3A, %dma_wait3A_110, %dma_wait3A_111, %dma_wait3A_112] : memref<32x4x128x128xf32, #tpu.memory_space<hbm>> -> memref<1x4x128x128xf32, #tpu.memory_space<hbm>>
      %dma_wait3A_114 = tpu.memref_squeeze %dma_wait3A_113 : memref<1x4x128x128xf32, #tpu.memory_space<hbm>> -> memref<4x128x128xf32, #tpu.memory_space<hbm>>
      tpu.wait_dma2 semaphore(%run_scoped3A : memref<!tpu.dma_semaphore, #tpu.memory_space<semaphore_mem>>) src(%arg6 : memref<4x128x128xf32, #tpu.memory_space<vmem>>) dst(%dma_wait3A_114 : memref<4x128x128xf32, #tpu.memory_space<hbm>>)
      tpu.yield
    }) : () -> ()
    return
  }
}

module attributes {stable_mosaic.version = 14 : i64} {
  func.func @_mm_body(%arg0: i32, %arg1: memref<64x49152xf32, #tpu.memory_space<vmem>>, %arg2: memref<64x64xf32, #tpu.memory_space<vmem>>, %arg3: memref<1x64xf32, #tpu.memory_space<vmem>>, %arg4: memref<12288x128xf32, #tpu.memory_space<vmem>>) attributes {dimension_semantics = [#tpu.dimension_semantics<arbitrary>], iteration_bounds = array<i64: 21>, scalar_prefetch = 0 : i64, scratch_operands = 0 : i64, tpu.core_type = #tpu.core_type<tc>, window_params = [{transform_indices = @transform_0, window_bounds = array<i64: 64, 49152>}, {pipeline_mode = #tpu.pipeline_mode<synchronous>, transform_indices = @transform_1, window_bounds = array<i64: 64, 64>}, {pipeline_mode = #tpu.pipeline_mode<synchronous>, transform_indices = @transform_2, window_bounds = array<i64: 1, 64>}, {transform_indices = @transform_3, window_bounds = array<i64: 12288, 128>}]} {
    %get3A = arith.constant 0 : index
    %get3A_0 = arith.constant 0 : index
    %get3A_1 = vector.load %arg1[%get3A, %get3A_0] : memref<64x49152xf32, #tpu.memory_space<vmem>>, vector<64x49152xf32>
    %convert_element_type3A = arith.truncf %get3A_1 : vector<64x49152xf32> to vector<64x49152xbf16>
    %get3A_2 = arith.constant 0 : index
    %get3A_3 = arith.constant 0 : index
    %get3A_4 = vector.load %arg2[%get3A_2, %get3A_3] : memref<64x64xf32, #tpu.memory_space<vmem>>, vector<64x64xf32>
    %convert_element_type3A_5 = arith.truncf %get3A_4 : vector<64x64xf32> to vector<64x64xbf16>
    %dot_general3A = arith.constant dense<0.000000e+00> : vector<49152x64xf32>
    %dot_general3A_6 = tpu.matmul %convert_element_type3A, %convert_element_type3A_5, %dot_general3A {dimension_numbers = #tpu.dot_dimension_numbers<[0], [1], [1], [0], [0, 1, 1, 0], [], []>, transpose_lhs_hint = false} : vector<64x49152xbf16>, vector<64x64xbf16>, vector<49152x64xf32> -> vector<49152x64xf32>
    %get3A_7 = arith.constant 0 : index
    %get3A_8 = arith.constant 0 : index
    %get3A_9 = vector.load %arg3[%get3A_7, %get3A_8] : memref<1x64xf32, #tpu.memory_space<vmem>>, vector<1x64xf32>
    %add3A = vector.broadcast %get3A_9 : vector<1x64xf32> to vector<49152x64xf32>
    %add3A_10 = arith.addf %dot_general3A_6, %add3A : vector<49152x64xf32>
    %max3A = arith.constant 0.000000e+00 : f32
    %max3A_11 = vector.broadcast %max3A : f32 to vector<49152x64xf32>
    %max3A_12 = arith.maximumf %add3A_10, %max3A_11 : vector<49152x64xf32>
    %convert_element_type3A_13 = arith.truncf %max3A_12 : vector<49152x64xf32> to vector<49152x64xbf16>
    %bitcast_convert_type3A = tpu.bitcast %convert_element_type3A_13 : vector<49152x64xbf16> -> vector<49152x64xi16>
    %convert_element_type3A_14 = arith.extui %bitcast_convert_type3A : vector<49152x64xi16> to vector<49152x64xi32>
    %slice3A = vector.extract_strided_slice %convert_element_type3A_14 {offsets = [0, 0], sizes = [12288, 64], strides = [1, 1]} : vector<49152x64xi32> to vector<12288x64xi32>
    %slice3A_15 = vector.extract_strided_slice %convert_element_type3A_14 {offsets = [12288, 0], sizes = [12288, 64], strides = [1, 1]} : vector<49152x64xi32> to vector<12288x64xi32>
    %shift_left3A = arith.constant 16 : i32
    %shift_left3A_16 = vector.broadcast %shift_left3A : i32 to vector<12288x64xi32>
    %shift_left3A_17 = arith.shli %slice3A_15, %shift_left3A_16 : vector<12288x64xi32>
    %or3A = arith.ori %slice3A, %shift_left3A_17 : vector<12288x64xi32>
    %slice3A_18 = vector.extract_strided_slice %convert_element_type3A_14 {offsets = [24576, 0], sizes = [12288, 64], strides = [1, 1]} : vector<49152x64xi32> to vector<12288x64xi32>
    %slice3A_19 = vector.extract_strided_slice %convert_element_type3A_14 {offsets = [36864, 0], sizes = [12288, 64], strides = [1, 1]} : vector<49152x64xi32> to vector<12288x64xi32>
    %shift_left3A_20 = arith.constant 16 : i32
    %shift_left3A_21 = vector.broadcast %shift_left3A_20 : i32 to vector<12288x64xi32>
    %shift_left3A_22 = arith.shli %slice3A_19, %shift_left3A_21 : vector<12288x64xi32>
    %or3A_23 = arith.ori %slice3A_18, %shift_left3A_22 : vector<12288x64xi32>
    %concatenate3A = tpu.concatenate %or3A, %or3A_23 in 1 : vector<12288x64xi32>, vector<12288x64xi32> -> vector<12288x128xi32>
    %bitcast_convert_type3A_24 = tpu.bitcast %concatenate3A : vector<12288x128xi32> -> vector<12288x128xf32>
    %swap3A = arith.constant 0 : index
    %swap3A_25 = arith.constant 0 : index
    %swap3A_26 = vector.load %arg4[%swap3A, %swap3A_25] : memref<12288x128xf32, #tpu.memory_space<vmem>>, vector<12288x128xf32>
    tpu.vector_store %arg4[%swap3A, %swap3A_25], %bitcast_convert_type3A_24 {strides = array<i32>} : memref<12288x128xf32, #tpu.memory_space<vmem>>, vector<12288x128xf32>,
    return
  }
  func.func @transform_0(%arg0: i32) -> (i32, i32) {
    %c0_i32 = arith.constant 0 : i32
    %c0_i32_0 = arith.constant 0 : i32
    return %c0_i32, %arg0 : i32, i32
  }
  func.func @transform_1(%arg0: i32) -> (i32, i32) {
    %c0_i32 = arith.constant 0 : i32
    %c0_i32_0 = arith.constant 0 : i32
    %c0_i32_1 = arith.constant 0 : i32
    return %c0_i32, %c0_i32_0 : i32, i32
  }
  func.func @transform_2(%arg0: i32) -> (i32, i32) {
    %c0_i32 = arith.constant 0 : i32
    %c0_i32_0 = arith.constant 0 : i32
    %c0_i32_1 = arith.constant 0 : i32
    return %c0_i32, %c0_i32_0 : i32, i32
  }
  func.func @transform_3(%arg0: i32) -> (i32, i32) {
    %c0_i32 = arith.constant 0 : i32
    %c0_i32_0 = arith.constant 0 : i32
    return %arg0, %c0_i32 : i32, i32
  }
}

module attributes {stable_mosaic.version = 14 : i64} {
  func.func @_sel_body(%arg0: i32, %arg1: memref<2048x128xf32, #tpu.memory_space<vmem>>, %arg2: memref<2048x1xi32, #tpu.memory_space<vmem>>, %arg3: memref<2048x64xf32, #tpu.memory_space<vmem>>) attributes {dimension_semantics = [#tpu.dimension_semantics<arbitrary>], iteration_bounds = array<i64: 8>, scalar_prefetch = 0 : i64, scratch_operands = 0 : i64, tpu.core_type = #tpu.core_type<tc>, window_params = [{transform_indices = @transform_0, window_bounds = array<i64: 2048, 128>}, {transform_indices = @transform_1, window_bounds = array<i64: 2048, 1>}, {transform_indices = @transform_2, window_bounds = array<i64: 2048, 64>}]} {
    %get3A = arith.constant 0 : index
    %get3A_0 = arith.constant 0 : index
    %get3A_1 = vector.load %arg1[%get3A, %get3A_0] : memref<2048x128xf32, #tpu.memory_space<vmem>>, vector<2048x128xf32>
    %bitcast_convert_type3A = tpu.bitcast %get3A_1 : vector<2048x128xf32> -> vector<2048x128xi32>
    %get3A_2 = arith.constant 0 : index
    %get3A_3 = arith.constant 0 : index
    %get3A_4 = vector.load %arg2[%get3A_2, %get3A_3] : memref<2048x1xi32, #tpu.memory_space<vmem>>, vector<2048x1xi32>
    %ge3A = arith.constant 2 : i32
    %ge3A_5 = vector.broadcast %ge3A : i32 to vector<2048x1xi32>
    %ge3A_6 = arith.cmpi sge, %get3A_4, %ge3A_5 : vector<2048x1xi32>
    %slice3A = vector.extract_strided_slice %bitcast_convert_type3A {offsets = [0, 64], sizes = [2048, 64], strides = [1, 1]} : vector<2048x128xi32> to vector<2048x64xi32>
    %slice3A_7 = vector.extract_strided_slice %bitcast_convert_type3A {offsets = [0, 0], sizes = [2048, 64], strides = [1, 1]} : vector<2048x128xi32> to vector<2048x64xi32>
    %broadcast_in_dim3A = vector.shape_cast %ge3A_6 : vector<2048x1xi1> to vector<2048x1xi1>
    %broadcast_in_dim3A_8 = vector.broadcast %broadcast_in_dim3A : vector<2048x1xi1> to vector<2048x64xi1>
    %select_n3A = arith.select %broadcast_in_dim3A_8, %slice3A, %slice3A_7 : vector<2048x64xi1>, vector<2048x64xi32>
    %jit3A = arith.constant 2 : i32
    %eq3A = arith.constant 0 : i32
    %eq3A_9 = arith.cmpi eq, %jit3A, %eq3A : i32
    %jit3A_10 = arith.constant 1 : i32
    %select_n3A_11 = arith.select %eq3A_9, %jit3A_10, %jit3A : i32
    %rem3A = vector.broadcast %select_n3A_11 : i32 to vector<2048x1xi32>
    %rem3A_12 = arith.remsi %get3A_4, %rem3A : vector<2048x1xi32>
    %ne3A = arith.constant 0 : i32
    %ne3A_13 = vector.broadcast %ne3A : i32 to vector<2048x1xi32>
    %ne3A_14 = arith.cmpi ne, %rem3A_12, %ne3A_13 : vector<2048x1xi32>
    %lt3A = arith.constant 0 : i32
    %lt3A_15 = vector.broadcast %lt3A : i32 to vector<2048x1xi32>
    %lt3A_16 = arith.cmpi slt, %rem3A_12, %lt3A_15 : vector<2048x1xi32>
    %lt3A_17 = arith.constant 0 : i32
    %lt3A_18 = arith.cmpi slt, %select_n3A_11, %lt3A_17 : i32
    %ne3A_19 = vector.broadcast %lt3A_18 : i1 to vector<2048x1xi1>
    %ne3A_20 = vector.broadcast %ne3A_19 : vector<2048x1xi1> to vector<2048x1xi1>
    %ne3A_21 = arith.xori %lt3A_16, %ne3A_20 : vector<2048x1xi1>
    %and3A = arith.andi %ne3A_21, %ne3A_14 : vector<2048x1xi1>
    %add3A = vector.broadcast %select_n3A_11 : i32 to vector<2048x1xi32>
    %add3A_22 = arith.addi %rem3A_12, %add3A : vector<2048x1xi32>
    %select_n3A_23 = arith.select %and3A, %add3A_22, %rem3A_12 : vector<2048x1xi1>, vector<2048x1xi32>
    %eq3A_24 = arith.constant 1 : i32
    %eq3A_25 = vector.broadcast %eq3A_24 : i32 to vector<2048x1xi32>
    %eq3A_26 = arith.cmpi eq, %select_n3A_23, %eq3A_25 : vector<2048x1xi32>
    %jit3A_27 = arith.constant 16 : i32
    %jit3A_28 = arith.constant 0 : i32
    %broadcast_in_dim3A_29 = vector.broadcast %jit3A_27 : i32 to vector<2048x1xi32>
    %broadcast_in_dim3A_30 = vector.broadcast %jit3A_28 : i32 to vector<2048x1xi32>
    %select_n3A_31 = arith.select %eq3A_26, %broadcast_in_dim3A_29, %broadcast_in_dim3A_30 : vector<2048x1xi1>, vector<2048x1xi32>
    %shift_right_logical3A = vector.broadcast %select_n3A_31 : vector<2048x1xi32> to vector<2048x64xi32>
    %shift_right_logical3A_32 = arith.shrui %select_n3A, %shift_right_logical3A : vector<2048x64xi32>
    %and3A_33 = arith.constant 65535 : i32
    %and3A_34 = vector.broadcast %and3A_33 : i32 to vector<2048x64xi32>
    %and3A_35 = arith.andi %shift_right_logical3A_32, %and3A_34 : vector<2048x64xi32>
    %convert_element_type3A = arith.trunci %and3A_35 : vector<2048x64xi32> to vector<2048x64xi16>
    %bitcast_convert_type3A_36 = tpu.bitcast %convert_element_type3A : vector<2048x64xi16> -> vector<2048x64xbf16>
    %convert_element_type3A_37 = arith.extf %bitcast_convert_type3A_36 : vector<2048x64xbf16> to vector<2048x64xf32>
    %swap3A = arith.constant 0 : index
    %swap3A_38 = arith.constant 0 : index
    %swap3A_39 = vector.load %arg3[%swap3A, %swap3A_38] : memref<2048x64xf32, #tpu.memory_space<vmem>>, vector<2048x64xf32>
    tpu.vector_store %arg3[%swap3A, %swap3A_38], %convert_element_type3A_37 {strides = array<i32>} : memref<2048x64xf32, #tpu.memory_space<vmem>>, vector<2048x64xf32>,
    return
  }
  func.func @transform_0(%arg0: i32) -> (i32, i32) {
    %c0_i32 = arith.constant 0 : i32
    %c0_i32_0 = arith.constant 0 : i32
    return %arg0, %c0_i32 : i32, i32
  }
  func.func @transform_1(%arg0: i32) -> (i32, i32) {
    %c0_i32 = arith.constant 0 : i32
    %c0_i32_0 = arith.constant 0 : i32
    return %arg0, %c0_i32 : i32, i32
  }
  func.func @transform_2(%arg0: i32) -> (i32, i32) {
    %c0_i32 = arith.constant 0 : i32
    %c0_i32_0 = arith.constant 0 : i32
    return %arg0, %c0_i32 : i32, i32
  }
}

</mosaic_0001>

<sc_bundles>
// kernel: kernel.5.cloned.1.call-start
scs
__scs_entry_jumppad:
0x0: {  	(pc) =	sbr.rel $0x88, $3  }
0x1: {  	(tag) =	ssettag $0x0;
	lr =	simm.s32 $0x1  }
0x2: {  	[smem:$0x3F9D] =	sst lr;
	_ =	strace $0xD0000000  }
0x3: {  	_ = 	snop  }
0x4: {  	_ = 	snop  }
0x5: {  	_ = 	snop  }
0x6: {  	_ = 	snop  }
0x7: {  	_ = 	snop  }
__scs_overlays_trampoline_lowered:
0x8: {  	[smem:$0x3FAC] =	sst s0  }
0x9: {  	[smem:$0x3FAD] =	sst s1  }
0xa: {  	[smem:$0x3FAE] =	sst s2  }
0xb: {  	[smem:$0x3FAF] =	sst s3  }
0xc: {  	[smem:$0x3FB0] =	sst s4  }
0xd: {  	[smem:$0x3FB1] =	sst s5  }
0xe: {  	[smem:$0x3FB2] =	sst s6  }
0xf: {  	[smem:$0x3FB3] =	sst s7  }
0x10: {  	[smem:$0x3FB4] =	sst s8  }
0x11: {  	[smem:$0x3FB5] =	sst s9;
	s0 =	simm.s32 @!p0 $0x0  }
0x12: {  	s1 =	sld [smem:$0x3F9B];
	s0 =	simm.s32 @p0 $0x1  }
0x13: {  	[smem:$0x3FB6] =	sst s0;
	s0 =	simm.s32 @!p1 $0x0  }
0x14: {  	s2 =	sld [smem:$0x3F9A];
	s0 =	simm.s32 @p1 $0x1  }
0x15: {  	[smem:$0x3FB7] =	sst s0;
	s0 =	simm.s32 @!p2 $0x0  }
0x16: {  	s3 =	sld [smem:$0x3FDB];
	s0 =	simm.s32 @p2 $0x1  }
0x17: {  	s4 =	simm.s32 $0x1BF5;
	[smem:$0x3FB9] =	sst s0  }
0x18: {  	s0 =	sld [smem:$0x3F9C];
	_ =	swait.ge [sflag:s4], $0x0  }
0x19: {  	s7 =	sld [smem:$0x3F9D]  }
0x1a: {  	s8 =	sadd.s32 $0xFFFFE003, lr  }
0x1b: {  	s9 =	sadd.s32 $0xFFFFFEF7, lr;
	s5 =	simm.s32 $0xFFFFFFFF;
	p2 =	slt.u32 s8, $0xFFFFF086  }
0x1c: {  	p1 =	slt.u32 s9, $0xF7A;
	s5 =	simm.s32 @!p2 $0x0  }
0x1d: {  	s5 =	simm.s32 @p1 $0x1;
	p0 =	seq.s32 s7, s2  }
0x1e: {  	s7 =	smul.u32 @!p0 $0xF7A, s2;
	p2 =	seq.s32 @!p0 s5, $0x0  }
0x1f: {  	s9 =	smul.u32 $0xF7A, s1;
	s8 =	simm.s32 @!p0 $0x1BF5;
	p2 =	por !p2, p0  }
0x20: {  	[sflag:s8] =	ssyncset.s32 @!p0 $0xFFFFF086;
	s6 =	sadd.s32 @!p0 s3, s7;
	s7 =	simm.s32 @!p0 $0x108  }
0x21: {  	s3 =	sadd.s32 s3, s9;
	s6 =	sadd.s32 @!p0 $0x88, s6;
	s7 =	simm.s32 @p2 $0x1082  }
0x22: {  	[simem:s7], [sflag:s8] =	dma.local @!p0 [hbm:s6], $0xF7A  }
0x23: {  	s9 =	sor.u32 $0xD0000000, s2;
	s6 =	simm.s32 $0x108;
	_ =	swait.ge @!p0 [sflag:s8], $0x0  }
0x24: {  	s3 =	sadd.s32 $0x88, s3;
	s6 =	simm.s32 @!p1 $0x1082;
	[sflag:s4] =	ssyncset.s32 $0xFFFFF086  }
0x25: {  	[simem:s6], [sflag:s4] =	dma.local [hbm:s3], $0xF7A  }
0x26: {  	[smem:$0x3F9D] =	sst s1;
	(tag) =	ssettag s2;
	_ =	strace s9  }
0x27: {  	s1 =	sld [smem:$0x3FAD]  }
0x28: {  	s2 =	sld [smem:$0x3FAE]  }
0x29: {  	s4 =	sld [smem:$0x3FB0]  }
0x2a: {  	p0 =	seq.s32 s5, $0x0;
	s5 =	sld [smem:$0x3FB1]  }
0x2b: {  	s6 =	sld [smem:$0x3FB2]  }
0x2c: {  	s7 =	sld [smem:$0x3FB3]  }
0x2d: {  	s3 =	simm.s32 $0x108;
	s8 =	sld [smem:$0x3FB4]  }
0x2e: {  	s3 =	simm.s32 @!p0 $0x1082;
	s9 =	sld [smem:$0x3FB5]  }
0x2f: {  	lr =	sadd.s32 s0, s3;
	s0 =	sld [smem:$0x3FAC]  }
0x30: {  	s3 =	sld [smem:$0x3FAF]  }
0x31: {  	[smem:$0x3FB8] =	sst s10  }
0x32: {  	s10 =	sld [smem:$0x3FB6];
	_ =	sdelay $0x3  }
0x33: {  	p0 =	seq.s32 s10, $0x1;
	s10 =	sld [smem:$0x3FB8];
	_ =	sdelay $0x3  }
0x34: {  	[smem:$0x3FB8] =	sst s10  }
0x35: {  	s10 =	sld [smem:$0x3FB7];
	_ =	sdelay $0x3  }
0x36: {  	p1 =	seq.s32 s10, $0x1;
	s10 =	sld [smem:$0x3FB8];
	_ =	sdelay $0x3  }
0x37: {  	[smem:$0x3FB8] =	sst s10  }
0x38: {  	s10 =	sld [smem:$0x3FB9]  }
0x39: {  	_ = 	snop;
	(pc) =	sbr.ind lr, $3  }
0x3a: {  	_ = 	snop  }
0x3b: {  	_ = 	snop  }
0x3c: {  	p2 =	seq.s32 s10, $0x1;
	s10 =	sld [smem:$0x3FB8]  }
0x3d: {  	_ =	shalt  }
0x3e: {  	_ =	shalt  }
0x3f: {  	_ =	shalt  }
0x40: {  	_ =	shalt  }
0x41: {  	_ =	shalt  }
0x42: {  	_ =	shalt  }
0x43: {  	_ =	shalt  }
0x44: {  	_ =	shalt  }
0x45: {  	_ =	shalt  }
0x46: {  	_ =	shalt  }
0x47: {  	_ =	shalt  }
0x48: {  	_ =	shalt  }
0x49: {  	_ =	shalt  }
0x4a: {  	_ =	shalt  }
0x4b: {  	_ =	shalt  }
0x4c: {  	_ =	shalt  }
0x4d: {  	_ =	shalt  }
0x4e: {  	_ =	shalt  }
0x4f: {  	_ =	shalt  }
0x50: {  	_ =	shalt  }
0x51: {  	_ =	shalt  }
0x52: {  	_ =	shalt  }
0x53: {  	_ =	shalt  }
0x54: {  	_ =	shalt  }
0x55: {  	_ =	shalt  }
0x56: {  	_ =	shalt  }
0x57: {  	_ =	shalt  }
0x58: {  	_ =	shalt  }
0x59: {  	_ =	shalt  }
0x5a: {  	_ =	shalt  }
0x5b: {  	_ =	shalt  }
0x5c: {  	_ =	shalt  }
0x5d: {  	_ =	shalt  }
0x5e: {  	_ =	shalt  }
0x5f: {  	_ =	shalt  }
0x60: {  	_ =	shalt  }
0x61: {  	_ =	shalt  }
0x62: {  	_ =	shalt  }
0x63: {  	_ =	shalt  }
0x64: {  	_ =	shalt  }
0x65: {  	_ =	shalt  }
0x66: {  	_ =	shalt  }
0x67: {  	_ =	shalt  }
0x68: {  	_ =	shalt  }
0x69: {  	_ =	shalt  }
0x6a: {  	_ =	shalt  }
0x6b: {  	_ =	shalt  }
0x6c: {  	_ =	shalt  }
0x6d: {  	_ =	shalt  }
0x6e: {  	_ =	shalt  }
0x6f: {  	_ =	shalt  }
0x70: {  	_ =	shalt  }
0x71: {  	_ =	shalt  }
0x72: {  	_ =	shalt  }
0x73: {  	_ =	shalt  }
0x74: {  	_ =	shalt  }
0x75: {  	_ =	shalt  }
0x76: {  	_ =	shalt  }
0x77: {  	_ =	shalt  }
0x78: {  	_ =	shalt  }
0x79: {  	_ =	shalt  }
0x7a: {  	_ =	shalt  }
0x7b: {  	_ =	shalt  }
0x7c: {  	_ =	shalt  }
0x7d: {  	_ =	shalt  }
0x7e: {  	_ =	shalt  }
0x7f: {  	_ =	shalt  }
0x80: {  	_ =	shalt  }
0x81: {  	_ =	shalt  }
0x82: {  	_ =	shalt  }
0x83: {  	_ =	shalt  }
0x84: {  	_ =	shalt  }
0x85: {  	_ =	shalt  }
0x86: {  	_ =	shalt  }
0x87: {  	_ =	shalt  }
.Lfunc_end0:
.L_simem_size_0:
called_computation_lowered:
.L_overlay_start_0:
0x88: {  	s2 =	sld [smem:$0x3FD9]  }
0x89: {  	s3 =	sld [smem:$0x3FFE];
	_ =	sdelay $0x1  }
0x8a: {  	s1 =	srdreg.scid  }
0x8b: {  	s0 =	sand.u32 $0x1, s1  }
0x8c: {  	s16 =	sshll.u32 s0, $0xA;
	s2 =	sadd.s32 s3, s2  }
0x8d: {  	s2 =	sadd.s32 s2, s16  }
0x8e: {  	[smem:$0x3FC4] =	sst s2  }
0x8f: {  	_ = 	snop  }
0x90: {  	(tm) =	ssettm $0x1  }
0x91: {  	s17 =	sld [smem:$0x3FFB];
	_ =	sdelay $0x3  }
0x92: {  	_ =	strace s17  }
0x93: {  	s2 =	sld [smem:$0x3FFC];
	_ =	sdelay $0x3  }
0x94: {  	_ =	strace s2  }
0x95: {  	s2 =	sld [smem:$0x3FFD];
	_ =	sdelay $0x3  }
0x96: {  	_ =	strace s2  }
0x97: {  	_ =	strace $0x8FFFFFFF  }
0x98: {  	s18 =	sld [smem:$0x3FDB];
	_ =	sdelay $0x1  }
0x99: {  	s19 =	simm.s32 $_scs_section_size  }
0x9a: {  	s4 =	simm.s32 $_size__tile_overlayer_lowered;
	s5 =	simm.s32 $_tile_overlayer_lowered  }
0x9b: {  	s22 =	simm.s32 $0x1BFF;
	s21 =	sshll.u32 s5, $0x1;
	s2 =	sadd.s32 s19, s18  }
0x9c: {  	s6 =	simm.s32 $0x0;
	s20 =	sshll.u32 s4, $0x1;
	s4 =	sadd.s32 s21, s2  }
0x9d: {  	[timem:s6], [sflag:s22] =	dma.local [hbm:s4], s20  }
0x9e: {  	_ =	swait.ge [sflag:s22], s20  }
0x9f: {  	s3 =	ssub.s32 $0x0, s20;
	[sflag:s22] =	ssyncset.done $0x0  }
0xa0: {  	[sflag:s22] =	ssyncadd.s32 s3;
	_ =	sdelay $0x1  }
0xa1: {  	s23 =	simm.s32 $0x1B8B  }
0xa2: {  	_ =	swait.ge [sflag:s23], $0x1  }
0xa3: {  	[sflag:s23] =	ssyncset.done $0x0  }
0xa4: {  	s25 =	simm.s32 $0x1B8E;
	s24 =	sld [smem:$0x3FFE];
	[sflag:s23] =	ssyncadd.s32 $0xFFFFFFFF  }
0xa5: {  	s26 =	simm.s32 $execute0_lowered;
	[smem:$0x3FD2] =	sst s25  }
0xa6: {  	s4 =	sshll.u32 s26, $0x1;
	_ =	strace $0x80000046;
	[dreg:$0x1] =	wrdreg $0xFFFFFFFF  }
0xa7: {  	s28 =	simm.s32 $_size_execute0_lowered;
	s2 =	sadd.s32 s2, s4;
	[dreg:$0x0] =	wrdreg $0x0  }
0xa8: {  	s4 =	sshll.u32 s28, $0x1;
	[dreg:$0x2] =	wrdreg s2  }
0xa9: {  	[dreg:$0x3] =	wrdreg s4  }
0xaa: {  	[dreg:$0x4] =	wrdreg $0xC0  }
0xab: {  	_ =	task [dreg:s6], $0x5FFFF  }
0xac: {  	[dreg:$0x1] =	wrdreg $0xFFFFFFFF  }
0xad: {  	[dreg:$0x0] =	wrdreg $0x60  }
0xae: {  	[dreg:$0x2] =	wrdreg s24  }
0xaf: {  	[dreg:$0x3] =	wrdreg $0x9  }
0xb0: {  	_ =	task.clear_ibuf [dreg:s6], $0x4FFFF;
	_ =	strace $0x90000046  }
0xb1: {  	s29 =	simm.s32 $0x9;
	_ =	strace $0x80000048  }
0xb2: {  	_ =	swait.ge [sflag:s29], $0x1  }
0xb3: {  	[sflag:s29] =	ssyncadd.s32 $0xFFFFFFFF  }
0xb4: {  	_ =	strace $0x90000048  }
0xb5: {  	_ =	sfence  }
0xb6: {  	s30 =	sld [smem:$0x0];
	_ =	sdelay $0x2  }
0xb7: {  	s31 =	sshll.u32 s1, $0xD;
	s1 =	sshrl.u32 s1, $0x2  }
0xb8: {  	s3 =	sand.u32 $0x4000, s31;
	s1 =	sadd.s32 s1, s30  }
0xb9: {  	s0 =	sor.u32 s3, s0;
	s1 =	sshll.u32 s1, $0x11  }
0xba: {  	s0 =	sor.u32 s1, s0  }
0xbb: {  	s0 =	sadd.s32 $0x8F2B, s0  }
0xbc: {  	[sflag:s0] =	ssyncadd.remote.s32 $0x1  }
0xbd: {  	_ =	sfence.sel $0xFFFF  }
0xbe: {  	[dreg:$0x0] =	wrdreg $0xFFFFFFFF;
	(pc) =	sbr.abs _section_cstart, $3  }
0xbf: {  	[dreg:$0x1] =	wrdreg $0xFFFFFFFF  }
0xc0: {  	_ =	task.clear_ibuf [dreg:s6], $0x2FFFF;
	_ =	strace $0x9FFFFFFF  }
0xc1: {  	(tm) =	ssettm $0x7FFFFFFF  }
tec
execute0_lowered:
.L_overlay_start_1:
0x0: {  	(tag) =	ssettag $0x1  }
0x1: {  	s1 =	srdreg.scid;
	s0 =	stileid.u32  }
0x2: {  	s14 =	sand.u32 $0x1, s1;
	s29 =	sshll.u32 s0, $0x1  }
0x3: {  	s15 =	rddreg [dreg:$0x0];
	s16 =	sor.u32 s14, s29  }
0x4: {  	s2 =	simm.s32 $0x0;
	s1 =	rddreg [dreg:$0x1];
	s3 =	sshll.u32 s16, $0x6  }
0x5: {  	[smem:$0x7FF] =	sst s2;
	s3 =	sadd.s32 s3, s15  }
0x6: {  	_ =	strace $0x80000047;
	s4 =	sadd.s32 $0xA00, s3;
	s3 =	simm.s32 $0x2  }
0x7: {  	[tilespmem:s2], [sflag:$0x2] =	stream.linear.gather [hbm4b:s4+s2], $0x200, $0x38;
	[tilespmem:$0x10200] =	vst v63  }
0x8: {  	_ =	swait.ge [sflag:s3], $0x200  }
0x9: {  	s6 =	simm.s32 $0x80;
	[sflag:s3] =	ssyncset.done $0x0  }
0xa: {  	s7 =	simm.s32 $0x200;
	s5 =	sadd.s32 $0x1200, s15;
	[sflag:s3] =	ssyncadd.s32 $0xFFFFFE00  }
0xb: {  	[tilespmem:s7], [sflag:$0x1] =	stream.indirect.gather [hbm4b:s5+s6], $0x80, s2, s6, $0xb8;
	[tilespmem:$0x10200] =	vst v63  }
0xc: {  	s8 =	simm.s32 $0x4200  }
0xd: {  	[tilespmem:s8], [sflag:$0x1] =	stream.indirect.gather [hbm4b:s5+s6], $0x80, s6, s6, $0xb8;
	[tilespmem:$0x10200] =	vst v63  }
0xe: {  	s9 =	simm.s32 $0x100;
	s10 =	simm.s32 $0x8200  }
0xf: {  	[tilespmem:s10], [sflag:$0x1] =	stream.indirect.gather [hbm4b:s5+s6], $0x80, s9, s6, $0xb8;
	[tilespmem:$0x10200] =	vst v63  }
0x10: {  	s11 =	simm.s32 $0x180;
	s12 =	simm.s32 $0xC200;
	s13 =	simm.s32 $0x1  }
0x11: {  	[tilespmem:s12], [sflag:$0x1] =	stream.indirect.gather [hbm4b:s5+s6], $0x80, s11, s6, $0xb8;
	[tilespmem:$0x10200] =	vst v63  }
0x12: {  	_ =	swait.ge [sflag:s13], $0x4000  }
0x13: {  	[sflag:s13] =	ssyncset.done $0x0  }
0x14: {  	[sflag:s13] =	ssyncadd.s32 $0xFFFFC000  }
0x15: {  	_ =	swait.ge [sflag:s13], $0x4000  }
0x16: {  	[sflag:s13] =	ssyncset.done $0x0  }
0x17: {  	s14 =	ssub.s32 $0x2, s14;
	[sflag:s13] =	ssyncadd.s32 $0xFFFFC000  }
0x18: {  	s17 =	sshrl.u32 s14, $0x1;
	_ =	swait.ge [sflag:s13], $0x4000  }
0x19: {  	s30 =	ssub.s32 s14, s17;
	[sflag:s13] =	ssyncset.done $0x0  }
0x1a: {  	s31 =	smax.u32 s30, $0x1;
	[sflag:s13] =	ssyncadd.s32 $0xFFFFC000  }
0x1b: {  	s16 =	sshll.u32 s16, $0xD;
	p0 =	sne.s32 s31, $0x1;
	_ =	swait.ge [sflag:s13], $0x4000  }
.Ltmp0:
0x1c: {  	s15 =	sadd.s32 s16, s15;
	[sflag:s13] =	ssyncset.done $0x0;
	(pc) =	sbr.rel @!p0 .LBB2_2-.Ltmp0, $4  }
0x1d: {  	s14 =	sadd.s32 $0x3F1200, s15;
	[sflag:s13] =	ssyncadd.s32 $0xFFFFC000  }
0x1e: {  	[hbm4b:s14+s2] =	stream.linear.scatter [tilespmem:s7], [sflag:$0x2], $0x10000, $0x38;
	[tilespmem:$0x10200] =	vst v63  }
0x1f: {  	_ =	swait.ge [sflag:s3], $0x10000  }
0x20: {  	s15 =	sadd.s32 $0xFFFFFFFF, s31;
	[sflag:s3] =	ssyncset.done $0x0  }
.LBB2_1:
0x21: {  	p0 =	sne.s32 s15, $0x1;
	s15 =	sadd.s32 $0xFFFFFFFF, s15;
	[sflag:s3] =	ssyncadd.s32 $0xFFFF0000  }
0x22: {  	[tilespmem:s2], [sflag:$0x2] =	stream.linear.gather [hbm4b:s4+s2], $0x200, $0x38;
	[tilespmem:$0x10200] =	vst v63  }
0x23: {  	_ =	swait.ge [sflag:s3], $0x200  }
0x24: {  	[sflag:s3] =	ssyncset.done $0x0  }
0x25: {  	[sflag:s3] =	ssyncadd.s32 $0xFFFFFE00  }
0x26: {  	[tilespmem:s7], [sflag:$0x1] =	stream.indirect.gather [hbm4b:s5+s6], $0x80, s2, s6, $0xb8;
	[tilespmem:$0x10200] =	vst v63  }
0x27: {  	_ = 	snop  }
0x28: {  	[tilespmem:s8], [sflag:$0x1] =	stream.indirect.gather [hbm4b:s5+s6], $0x80, s6, s6, $0xb8;
	[tilespmem:$0x10200] =	vst v63  }
0x29: {  	_ = 	snop  }
0x2a: {  	[tilespmem:s10], [sflag:$0x1] =	stream.indirect.gather [hbm4b:s5+s6], $0x80, s9, s6, $0xb8;
	[tilespmem:$0x10200] =	vst v63  }
0x2b: {  	_ = 	snop  }
0x2c: {  	[tilespmem:s12], [sflag:$0x1] =	stream.indirect.gather [hbm4b:s5+s6], $0x80, s11, s6, $0xb8;
	[tilespmem:$0x10200] =	vst v63  }
0x2d: {  	_ =	swait.ge [sflag:s13], $0x4000  }
0x2e: {  	[sflag:s13] =	ssyncset.done $0x0  }
0x2f: {  	[sflag:s13] =	ssyncadd.s32 $0xFFFFC000  }
0x30: {  	_ =	swait.ge [sflag:s13], $0x4000  }
0x31: {  	[sflag:s13] =	ssyncset.done $0x0  }
0x32: {  	[sflag:s13] =	ssyncadd.s32 $0xFFFFC000  }
0x33: {  	_ =	swait.ge [sflag:s13], $0x4000  }
0x34: {  	[sflag:s13] =	ssyncset.done $0x0  }
0x35: {  	[sflag:s13] =	ssyncadd.s32 $0xFFFFC000  }
0x36: {  	_ =	swait.ge [sflag:s13], $0x4000  }
.Ltmp1:
0x37: {  	[sflag:s13] =	ssyncset.done $0x0;
	(pc) =	sbr.rel @p0 .LBB2_1-.Ltmp1, $4  }
0x38: {  	[sflag:s13] =	ssyncadd.s32 $0xFFFFC000  }
0x39: {  	[hbm4b:s14+s2] =	stream.linear.scatter [tilespmem:s7], [sflag:$0x2], $0x10000, $0x38;
	[tilespmem:$0x10200] =	vst v63  }
0x3a: {  	_ =	swait.ge [sflag:s3], $0x10000  }
0x3b: {  	[sflag:s3] =	ssyncset.done $0x0  }
.LBB2_2:
0x3c: {  	[sflag:s3] =	ssyncadd.s32 $0xFFFF0000  }
0x3d: {  	_ =	sfence.sel $0x180000  }
0x3e: {  	[bflag:$0x0] =	sbarrier.arrive $0xFFFF  }
0x3f: {  	p0 =	sne.s32 s0, $0x0;
	_ =	strace $0x90000047  }
0x40: {  	s0 =	sadd.s32 @!p0 $0x100000, s1;
	[bflag:$0x2] =	sbarrier.arrive $0xFFFF  }
0x41: {  	[sflag:s0] =	ssyncadd.tile.s32 @!p0 $0x1;
	_ =	shalt  }
.Lfunc_end2:
_tile_overlayer_lowered:
.L_overlay_start_2:
0x42: {  	(tag) =	ssettag $0x2  }
0x43: {  	s0 =	rddreg [dreg:$0x0];
	s2 =	stileid.u32  }
0x44: {  	s1 =	rddreg [dreg:$0x1];
	p0 =	sne.s32 s2, $0x0  }
0x45: {  	s3 =	rddreg [dreg:$0x2];
	[bflag:$0x3] =	sbarrier.arrive $0xFFFF;
	s2 =	simm.s32 @!p0 $0x1C02  }
0x46: {  	[timem:s3], [sflag:s2] =	dma.local @!p0 [hbm:s0], s1  }
0x47: {  	s0 =	simm.s32 @!p0 $0x2  }
0x48: {  	_ =	swait.ge @!p0 [sflag:s0], s1  }
0x49: {  	s1 =	ssub.s32 @!p0 $0x0, s1;
	[sflag:s0] =	ssyncset.done @!p0 $0x0  }
0x4a: {  	[sflag:s0] =	ssyncadd.s32 @!p0 s1  }
0x4b: {  	[bflag:$0x3] =	sbarrier.arrive $0xFFFF  }
0x4c: {  	_ =	shalt  }

</sc_bundles>
